<compile_context>
chip_gen: v7x
topology: tpu7x:2x2x1
jax: 0.10.2.dev20260603
libtpu: 0.0.44.dev20260713+nightly
codegen_flags: <defaults>
</compile_context>

<pallas_src>
import functools

import jax
import jax.numpy as jnp
from jax import lax
from jax.experimental import pallas as pl
from jax.experimental.pallas import tpu as pltpu
from jax.experimental.pallas import tpu_sc as plsc

_NS = 16


def _sc_gather_rows(emb_table, input_ids, hid):
    b, nw = input_ids.shape
    n_flat = b * nw
    rows_per_w = n_flat // _NS

    mesh = plsc.VectorSubcoreMesh(
        core_axis_name="c", subcore_axis_name="s", num_cores=1)

    @functools.partial(
        pl.kernel,
        mesh=mesh,
        out_type=jax.ShapeDtypeStruct((n_flat, hid), jnp.float32),
        scratch_types=[
            pltpu.VMEM((rows_per_w,), jnp.int32),
            pltpu.VMEM((rows_per_w, hid), jnp.float32),
            pltpu.SemaphoreType.DMA,
            pltpu.SemaphoreType.DMA,
            pltpu.SemaphoreType.DMA,
            pltpu.SemaphoreType.DMA,
        ],
    )
    def gather_kernel(table_hbm, idx_hbm, out_hbm, idx_v, rows_v,
                      sem_a, sem_b, sem_oa, sem_ob):
        wid = lax.axis_index("s")
        base = wid * rows_per_w
        half = rows_per_w // 2
        pltpu.sync_copy(idx_hbm.at[base // nw, pl.ds(base % nw, rows_per_w)],
                        idx_v)
        g_a = pltpu.async_copy(table_hbm.at[idx_v.at[pl.ds(0, half)]],
                               rows_v.at[pl.ds(0, half)], sem_a)
        g_b = pltpu.async_copy(table_hbm.at[idx_v.at[pl.ds(half, half)]],
                               rows_v.at[pl.ds(half, half)], sem_b)
        g_a.wait()
        o_a = pltpu.async_copy(rows_v.at[pl.ds(0, half)],
                               out_hbm.at[pl.ds(base, half)], sem_oa)
        g_b.wait()
        o_b = pltpu.async_copy(rows_v.at[pl.ds(half, half)],
                               out_hbm.at[pl.ds(base + half, half)], sem_ob)
        o_a.wait()
        o_b.wait()

    return gather_kernel(emb_table, input_ids)


def _tc_kernel(stride_ref, words_ref, zrow_ref, bbox_ref, proj_ref, out_ref):
    nw = words_ref.shape[0]
    h, w = out_ref.shape[2], out_ref.shape[3]
    ngrp = nw // 16
    kdim = nw + 8

    rows_ext = jnp.concatenate([words_ref[...], zrow_ref[...]], axis=0)
    pt = lax.dot_general(
        proj_ref[...], rows_ext,
        (((0,), (1,)), ((), ())),
        preferred_element_type=jnp.float32,
    )

    stride_f = stride_ref[0, 0].astype(jnp.float32)
    bb = jnp.rint(bbox_ref[0] / stride_f)
    ws_c, we_c = bb[:, 0:1], bb[:, 2:3]
    hs_c, he_c = bb[:, 1:2], bb[:, 3:4]

    n_col = lax.broadcasted_iota(jnp.int32, (nw, 1), 0)
    w_col = (jnp.int32(1) << (n_col & 15)).astype(jnp.float32)
    yy = lax.broadcasted_iota(jnp.int32, (nw, h), 1).astype(jnp.float32)
    yt_mat = jnp.where((yy >= hs_c) & (yy < he_c), w_col, 0.0)

    jlane = lax.broadcasted_iota(jnp.int32, (nw, ngrp * w), 1)
    xf = (jlane & (w - 1)).astype(jnp.float32)
    in_grp = (n_col >> 4) == (jlane >> 7)
    x_mat = jnp.where((xf >= ws_c) & (xf < we_c) & in_grp, 1.0, 0.0)

    s = lax.dot_general(
        yt_mat, x_mat,
        (((0,), (0,)), ((), ())),
        preferred_element_type=jnp.float32,
    )
    e = (lax.bitcast_convert_type(s, jnp.int32) >> 23) - 127
    cand = e + (lax.broadcasted_iota(jnp.int32, (h, ngrp * w), 1) >> 7) * 16
    best = cand[:, 0:w]
    for g in range(1, ngrp):
        best = jnp.maximum(best, cand[:, g * w:(g + 1) * w])
    sel = jnp.where(best >= 0, best, nw)

    sel_flat = jnp.reshape(sel, (1, h * w))
    k_iota = lax.broadcasted_iota(jnp.int32, (kdim, h * w), 0)
    oh = (k_iota == sel_flat).astype(jnp.float32)
    out_t = jnp.dot(pt, oh, preferred_element_type=jnp.float32)
    out_ref[0] = jnp.reshape(out_t, (out_t.shape[0], h, w))


def kernel(img, input_ids, bbox, emb_table, proj_w, stride):
    b, _, img_h, img_w = img.shape
    h, w = img_h // 4, img_w // 4
    nw = input_ids.shape[1]
    hid = emb_table.shape[1]
    edim = proj_w.shape[1]

    rows = _sc_gather_rows(emb_table, input_ids, hid)
    stride_arr = jnp.reshape(jnp.asarray(stride, jnp.float32), (1, 1))

    return pl.pallas_call(
        _tc_kernel,
        grid=(b,),
        in_specs=[
            pl.BlockSpec(memory_space=pltpu.SMEM),
            pl.BlockSpec((nw, hid), lambda i: (i, 0)),
            pl.BlockSpec((8, hid), lambda i: (0, 0)),
            pl.BlockSpec((1, nw, 4), lambda i: (i, 0, 0)),
            pl.BlockSpec((hid, edim), lambda i: (0, 0)),
        ],
        out_specs=pl.BlockSpec((1, edim, h, w), lambda i: (i, 0, 0, 0)),
        out_shape=jax.ShapeDtypeStruct((b, edim, h, w), jnp.float32),
    )(stride_arr, rows, emb_table, bbox, proj_w)

# --- scband reference (transcript-rebuilt; emitter-appended) ---
"""Pipeline reference for scband-wordnn-embedding-21345987461491 (READ-ONLY COPY).

The authoritative reference and input builder live on the scoring server;
editing this copy changes nothing except your own understanding.
"""

import jax, jax.numpy as jnp
import numpy as np

VOCAB = 30522
HID = 768
EDIM = 64


def setup_inputs(seed: int = 0) -> dict:
    key = jax.random.key(seed)
    k1, k2, k3, k4, k5, k6, k7 = jax.random.split(key, 7)
    B, H, W, NW = 4, 512, 512, 128
    img = jax.random.normal(k1, (B, 3, H, W), dtype=jnp.float32)
    input_ids = jax.random.randint(k2, (B, NW), 0, VOCAB, dtype=jnp.int32)
    # well-formed boxes: (w_start, h_start, w_end, h_end), start < end, inside image
    x1 = jax.random.randint(k3, (B, NW), 0, W - 33, dtype=jnp.int32)
    y1 = jax.random.randint(k4, (B, NW), 0, H - 33, dtype=jnp.int32)
    bw = jax.random.randint(k5, (B, NW), 4, 33, dtype=jnp.int32)
    bh = jax.random.randint(k6, (B, NW), 4, 33, dtype=jnp.int32)
    bbox = jnp.stack([x1, y1, x1 + bw, y1 + bh], axis=-1).astype(jnp.float32)
    # learned params: nn.Embedding(vocab, hidden) + Linear(hidden, embedding_dim, bias=False)
    emb_table = jax.random.normal(k7, (VOCAB, HID), dtype=jnp.float32)
    limit = float(np.sqrt(6.0 / (HID + EDIM)))  # xavier_uniform
    proj_w = jax.random.uniform(jax.random.fold_in(key, 7), (HID, EDIM), dtype=jnp.float32, minval=-limit, maxval=limit)
    return {"img": img, "input_ids": input_ids, "bbox": bbox, "emb_table": emb_table, "proj_w": proj_w, "stride": 4}


def _build_chargrid(img_shape, input_ids, bbox, stride):
    B, _, H, W = img_shape
    h, w = H // 4, W // 4
    n = min(input_ids.shape[1], bbox.shape[1])
    bb = jnp.rint(bbox / stride).astype(jnp.int32)
    w_start = bb[:, :n, 0][:, :, None, None]
    h_start = bb[:, :n, 1][:, :, None, None]
    w_end = bb[:, :n, 2][:, :, None, None]
    h_end = bb[:, :n, 3][:, :, None, None]
    yy = jnp.arange(h, dtype=jnp.int32)[None, None, :, None]
    xx = jnp.arange(w, dtype=jnp.int32)[None, None, None, :]
    mask = (xx >= w_start) & (xx < w_end) & (yy >= h_start) & (yy < h_end)
    idx = jnp.arange(n, dtype=jnp.int32)[None, :, None, None]
    best = jnp.max(jnp.where(mask, idx, jnp.int32(-1)), axis=1)  # [B, h, w]
    ids = input_ids[:, :n].astype(jnp.int32)
    safe = jnp.clip(best, 0).reshape(B, -1)
    vals = jnp.take_along_axis(ids, safe, axis=1).reshape(B, h, w)
    chargrid = jnp.where(best >= 0, vals, jnp.int32(0))
    return chargrid


def reference(img, input_ids, bbox, emb_table, proj_w, stride=4):
    # faithful translation of WordnnEmbedding.forward (use_pretrain_weight=False, use_UNK_text=False)
    chargrid = _build_chargrid(img.shape, input_ids, bbox, stride)  # int32 [B, H/s, W/s]
    emb = jnp.take(emb_table, chargrid, axis=0)      # [B, h, w, 768] embedding gather
    out = emb @ proj_w                               # [B, h, w, 64] linear proj (no bias)
    return jnp.transpose(out, (0, 3, 1, 2))          # [B, 64, h, w]

if __name__ == "__main__":
    import jax
    _d = setup_inputs()
    print(jax.jit(kernel)(*tuple(_d.values())))

</pallas_src>

<mosaic_0001>
#map = affine_map<(d0, d1) -> (0, 0)>
module attributes {stable_mosaic.version = 14 : i64} {
  func.func @gather_kernel(%arg0: i32, %arg1: i32, %arg2: memref<30522x768xf32, #tpu.memory_space<hbm>>, %arg3: memref<4x128xi32, #tpu.memory_space<hbm>>, %arg4: memref<512x768xf32, #tpu.memory_space<hbm>>, %arg5: memref<32xi32, #tpu.memory_space<vmem>>, %arg6: memref<32x768xf32, #tpu.memory_space<vmem>>, %arg7: memref<!tpu.dma_semaphore, #tpu.memory_space<semaphore_mem>>, %arg8: memref<!tpu.dma_semaphore, #tpu.memory_space<semaphore_mem>>, %arg9: memref<!tpu.dma_semaphore, #tpu.memory_space<semaphore_mem>>, %arg10: memref<!tpu.dma_semaphore, #tpu.memory_space<semaphore_mem>>) attributes {dimension_semantics = [#tpu.dimension_semantics<core_parallel>, #tpu.dimension_semantics<subcore_parallel>], iteration_bounds = array<i64: 1, 16>, scalar_prefetch = 0 : i64, scratch_operands = 6 : i64, tpu.core_type = #tpu.core_type<sc_vector_subcore>, window_params = [{transform_indices = #map}, {transform_indices = #map}, {transform_indices = #map}]} {
    %mul3A = arith.constant 32 : i32
    %mul3A_0 = arith.muli %arg1, %mul3A : i32
    %jit3A = arith.constant 128 : i32
    %div3A = arith.divsi %mul3A_0, %jit3A : i32
    %sign3A = arith.constant 0 : i32
    %sign3A_1 = arith.cmpi sgt, %mul3A_0, %sign3A : i32
    %sign3A_2 = arith.extui %sign3A_1 : i1 to i32
    %sign3A_3 = arith.constant 0 : i32
    %sign3A_4 = arith.cmpi slt, %mul3A_0, %sign3A_3 : i32
    %sign3A_5 = arith.extui %sign3A_4 : i1 to i32
    %sign3A_6 = arith.subi %sign3A_2, %sign3A_5 : i32
    %sign3A_7 = arith.constant 0 : i32
    %sign3A_8 = arith.cmpi sgt, %jit3A, %sign3A_7 : i32
    %sign3A_9 = arith.extui %sign3A_8 : i1 to i32
    %sign3A_10 = arith.constant 0 : i32
    %sign3A_11 = arith.cmpi slt, %jit3A, %sign3A_10 : i32
    %sign3A_12 = arith.extui %sign3A_11 : i1 to i32
    %sign3A_13 = arith.subi %sign3A_9, %sign3A_12 : i32
    %ne3A = arith.cmpi ne, %sign3A_6, %sign3A_13 : i32
    %rem3A = arith.remsi %mul3A_0, %jit3A : i32
    %ne3A_14 = arith.constant 0 : i32
    %ne3A_15 = arith.cmpi ne, %rem3A, %ne3A_14 : i32
    %and3A = arith.andi %ne3A, %ne3A_15 : i1
    %sub3A = arith.constant 1 : i32
    %sub3A_16 = arith.subi %div3A, %sub3A : i32
    %select_n3A = arith.select %and3A, %sub3A_16, %div3A : i32
    %jit3A_17 = arith.constant 128 : i32
    %eq3A = arith.constant 0 : i32
    %eq3A_18 = arith.cmpi eq, %jit3A_17, %eq3A : i32
    %jit3A_19 = arith.constant 1 : i32
    %select_n3A_20 = arith.select %eq3A_18, %jit3A_19, %jit3A_17 : i32
    %rem3A_21 = arith.remsi %mul3A_0, %select_n3A_20 : i32
    %ne3A_22 = arith.constant 0 : i32
    %ne3A_23 = arith.cmpi ne, %rem3A_21, %ne3A_22 : i32
    %lt3A = arith.constant 0 : i32
    %lt3A_24 = arith.cmpi slt, %rem3A_21, %lt3A : i32
    %lt3A_25 = arith.constant 0 : i32
    %lt3A_26 = arith.cmpi slt, %select_n3A_20, %lt3A_25 : i32
    %ne3A_27 = arith.xori %lt3A_24, %lt3A_26 : i1
    %and3A_28 = arith.andi %ne3A_27, %ne3A_23 : i1
    %add3A = arith.addi %rem3A_21, %select_n3A_20 : i32
    %select_n3A_29 = arith.select %and3A_28, %add3A, %rem3A_21 : i32
    "tpu.region"() ({
      %run_scoped3A = tpu.sem_alloc : memref<!tpu.dma_semaphore, #tpu.memory_space<semaphore_mem>>
      %dma_start3A_102 = tpu.memref_slice %arg3[%select_n3A, %select_n3A_29] : memref<4x128xi32, #tpu.memory_space<hbm>> -> memref<1x32xi32, #tpu.memory_space<hbm>>
      %dma_start3A_103 = tpu.memref_squeeze %dma_start3A_102 : memref<1x32xi32, #tpu.memory_space<hbm>> -> memref<32xi32, #tpu.memory_space<hbm>>
      %dma_start3A_104 = tpu.memref_slice %arg3[%select_n3A, %select_n3A_29] : memref<4x128xi32, #tpu.memory_space<hbm>> -> memref<1x32xi32, #tpu.memory_space<hbm>>
      %dma_start3A_105 = tpu.memref_squeeze %dma_start3A_104 : memref<1x32xi32, #tpu.memory_space<hbm>> -> memref<32xi32, #tpu.memory_space<hbm>>
      tpu.enqueue_dma source(%dma_start3A_105 : memref<32xi32, #tpu.memory_space<hbm>>) target(%arg5 : memref<32xi32, #tpu.memory_space<vmem>>) target_semaphore(%run_scoped3A : memref<!tpu.dma_semaphore, #tpu.memory_space<semaphore_mem>>)
      %dma_wait3A_106 = tpu.memref_slice %arg3[%select_n3A, %select_n3A_29] : memref<4x128xi32, #tpu.memory_space<hbm>> -> memref<1x32xi32, #tpu.memory_space<hbm>>
      %dma_wait3A_107 = tpu.memref_squeeze %dma_wait3A_106 : memref<1x32xi32, #tpu.memory_space<hbm>> -> memref<32xi32, #tpu.memory_space<hbm>>
      %dma_wait3A_108 = tpu.memref_slice %arg3[%select_n3A, %select_n3A_29] : memref<4x128xi32, #tpu.memory_space<hbm>> -> memref<1x32xi32, #tpu.memory_space<hbm>>
      %dma_wait3A_109 = tpu.memref_squeeze %dma_wait3A_108 : memref<1x32xi32, #tpu.memory_space<hbm>> -> memref<32xi32, #tpu.memory_space<hbm>>
      tpu.wait_dma2 semaphore(%run_scoped3A : memref<!tpu.dma_semaphore, #tpu.memory_space<semaphore_mem>>) src(%dma_wait3A_109 : memref<32xi32, #tpu.memory_space<hbm>>) dst(%arg5 : memref<32xi32, #tpu.memory_space<vmem>>)
      tpu.yield
    }) : () -> ()
    %dma_start3A = arith.constant 0 : i32
    %dma_start3A_30 = arith.constant 0 : i32
    %dma_start3A_31 = tpu.memref_slice %arg6[%dma_start3A, %dma_start3A_30] : memref<32x768xf32, #tpu.memory_space<vmem>> -> memref<16x768xf32, #tpu.memory_space<vmem>>
    %dma_start3A_32 = arith.constant 0 : i32
    %dma_start3A_33 = tpu.memref_slice %arg5[%dma_start3A_32] : memref<32xi32, #tpu.memory_space<vmem>> -> memref<16xi32, #tpu.memory_space<vmem>>
    %dma_start3A_34 = arith.constant 0 : i32
    %dma_start3A_35 = arith.constant 0 : i32
    %dma_start3A_36 = tpu.memref_slice %arg2[%dma_start3A_34, %dma_start3A_35] : memref<30522x768xf32, #tpu.memory_space<hbm>> -> memref<30522x768xf32, #tpu.memory_space<hbm>>
    tpu.enqueue_indirect_dma source(%dma_start3A_36 : memref<30522x768xf32, #tpu.memory_space<hbm>>) target(%dma_start3A_31 : memref<16x768xf32, #tpu.memory_space<vmem>>) offsets(%dma_start3A_33 : memref<16xi32, #tpu.memory_space<vmem>>) semaphore(%arg7 : memref<!tpu.dma_semaphore, #tpu.memory_space<semaphore_mem>>)
    %dma_start3A_37 = arith.constant 16 : i32
    %dma_start3A_38 = arith.constant 0 : i32
    %dma_start3A_39 = tpu.memref_slice %arg6[%dma_start3A_37, %dma_start3A_38] : memref<32x768xf32, #tpu.memory_space<vmem>> -> memref<16x768xf32, #tpu.memory_space<vmem>>
    %dma_start3A_40 = arith.constant 16 : i32
    %dma_start3A_41 = tpu.memref_slice %arg5[%dma_start3A_40] : memref<32xi32, #tpu.memory_space<vmem>> -> memref<16xi32, #tpu.memory_space<vmem>>
    %dma_start3A_42 = arith.constant 0 : i32
    %dma_start3A_43 = arith.constant 0 : i32
    %dma_start3A_44 = tpu.memref_slice %arg2[%dma_start3A_42, %dma_start3A_43] : memref<30522x768xf32, #tpu.memory_space<hbm>> -> memref<30522x768xf32, #tpu.memory_space<hbm>>
    tpu.enqueue_indirect_dma source(%dma_start3A_44 : memref<30522x768xf32, #tpu.memory_space<hbm>>) target(%dma_start3A_39 : memref<16x768xf32, #tpu.memory_space<vmem>>) offsets(%dma_start3A_41 : memref<16xi32, #tpu.memory_space<vmem>>) semaphore(%arg8 : memref<!tpu.dma_semaphore, #tpu.memory_space<semaphore_mem>>)
    %dma_wait3A = arith.constant 0 : i32
    %dma_wait3A_45 = arith.constant 0 : i32
    %dma_wait3A_46 = tpu.memref_slice %arg6[%dma_wait3A, %dma_wait3A_45] : memref<32x768xf32, #tpu.memory_space<vmem>> -> memref<16x768xf32, #tpu.memory_space<vmem>>
    %dma_wait3A_47 = arith.constant 0 : i32
    %dma_wait3A_48 = tpu.memref_slice %arg5[%dma_wait3A_47] : memref<32xi32, #tpu.memory_space<vmem>> -> memref<16xi32, #tpu.memory_space<vmem>>
    %dma_wait3A_49 = arith.constant 0 : i32
    %dma_wait3A_50 = arith.constant 0 : i32
    %dma_wait3A_51 = tpu.memref_slice %arg2[%dma_wait3A_49, %dma_wait3A_50] : memref<30522x768xf32, #tpu.memory_space<hbm>> -> memref<30522x768xf32, #tpu.memory_space<hbm>>
    tpu.wait_indirect_dma semaphore(%arg7 : memref<!tpu.dma_semaphore, #tpu.memory_space<semaphore_mem>>) src(%dma_wait3A_51 : memref<30522x768xf32, #tpu.memory_space<hbm>>) dst(%dma_wait3A_46 : memref<16x768xf32, #tpu.memory_space<vmem>>)
    %dma_start3A_52 = arith.constant 0 : i32
    %dma_start3A_53 = arith.constant 0 : i32
    %dma_start3A_54 = tpu.memref_slice %arg6[%dma_start3A_52, %dma_start3A_53] : memref<32x768xf32, #tpu.memory_space<vmem>> -> memref<16x768xf32, #tpu.memory_space<vmem>>
    %dma_start3A_55 = arith.constant 0 : i32
    %dma_start3A_56 = tpu.memref_slice %arg4[%mul3A_0, %dma_start3A_55] : memref<512x768xf32, #tpu.memory_space<hbm>> -> memref<16x768xf32, #tpu.memory_space<hbm>>
    %dma_start3A_57 = arith.constant 0 : i32
    %dma_start3A_58 = tpu.memref_slice %arg4[%mul3A_0, %dma_start3A_57] : memref<512x768xf32, #tpu.memory_space<hbm>> -> memref<16x768xf32, #tpu.memory_space<hbm>>
    %dma_start3A_59 = arith.constant 0 : i32
    %dma_start3A_60 = arith.constant 0 : i32
    %dma_start3A_61 = tpu.memref_slice %arg6[%dma_start3A_59, %dma_start3A_60] : memref<32x768xf32, #tpu.memory_space<vmem>> -> memref<16x768xf32, #tpu.memory_space<vmem>>
    tpu.enqueue_dma source(%dma_start3A_61 : memref<16x768xf32, #tpu.memory_space<vmem>>) target(%dma_start3A_58 : memref<16x768xf32, #tpu.memory_space<hbm>>) target_semaphore(%arg9 : memref<!tpu.dma_semaphore, #tpu.memory_space<semaphore_mem>>)
    %dma_wait3A_62 = arith.constant 16 : i32
    %dma_wait3A_63 = arith.constant 0 : i32
    %dma_wait3A_64 = tpu.memref_slice %arg6[%dma_wait3A_62, %dma_wait3A_63] : memref<32x768xf32, #tpu.memory_space<vmem>> -> memref<16x768xf32, #tpu.memory_space<vmem>>
    %dma_wait3A_65 = arith.constant 16 : i32
    %dma_wait3A_66 = tpu.memref_slice %arg5[%dma_wait3A_65] : memref<32xi32, #tpu.memory_space<vmem>> -> memref<16xi32, #tpu.memory_space<vmem>>
    %dma_wait3A_67 = arith.constant 0 : i32
    %dma_wait3A_68 = arith.constant 0 : i32
    %dma_wait3A_69 = tpu.memref_slice %arg2[%dma_wait3A_67, %dma_wait3A_68] : memref<30522x768xf32, #tpu.memory_space<hbm>> -> memref<30522x768xf32, #tpu.memory_space<hbm>>
    tpu.wait_indirect_dma semaphore(%arg8 : memref<!tpu.dma_semaphore, #tpu.memory_space<semaphore_mem>>) src(%dma_wait3A_69 : memref<30522x768xf32, #tpu.memory_space<hbm>>) dst(%dma_wait3A_64 : memref<16x768xf32, #tpu.memory_space<vmem>>)
    %add3A_70 = arith.constant 16 : i32
    %add3A_71 = arith.addi %mul3A_0, %add3A_70 : i32
    %dma_start3A_72 = arith.constant 16 : i32
    %dma_start3A_73 = arith.constant 0 : i32
    %dma_start3A_74 = tpu.memref_slice %arg6[%dma_start3A_72, %dma_start3A_73] : memref<32x768xf32, #tpu.memory_space<vmem>> -> memref<16x768xf32, #tpu.memory_space<vmem>>
    %dma_start3A_75 = arith.constant 0 : i32
    %dma_start3A_76 = tpu.memref_slice %arg4[%add3A_71, %dma_start3A_75] : memref<512x768xf32, #tpu.memory_space<hbm>> -> memref<16x768xf32, #tpu.memory_space<hbm>>
    %dma_start3A_77 = arith.constant 0 : i32
    %dma_start3A_78 = tpu.memref_slice %arg4[%add3A_71, %dma_start3A_77] : memref<512x768xf32, #tpu.memory_space<hbm>> -> memref<16x768xf32, #tpu.memory_space<hbm>>
    %dma_start3A_79 = arith.constant 16 : i32
    %dma_start3A_80 = arith.constant 0 : i32
    %dma_start3A_81 = tpu.memref_slice %arg6[%dma_start3A_79, %dma_start3A_80] : memref<32x768xf32, #tpu.memory_space<vmem>> -> memref<16x768xf32, #tpu.memory_space<vmem>>
    tpu.enqueue_dma source(%dma_start3A_81 : memref<16x768xf32, #tpu.memory_space<vmem>>) target(%dma_start3A_78 : memref<16x768xf32, #tpu.memory_space<hbm>>) target_semaphore(%arg10 : memref<!tpu.dma_semaphore, #tpu.memory_space<semaphore_mem>>)
    %dma_wait3A_82 = arith.constant 0 : i32
    %dma_wait3A_83 = arith.constant 0 : i32
    %dma_wait3A_84 = tpu.memref_slice %arg6[%dma_wait3A_82, %dma_wait3A_83] : memref<32x768xf32, #tpu.memory_space<vmem>> -> memref<16x768xf32, #tpu.memory_space<vmem>>
    %dma_wait3A_85 = arith.constant 0 : i32
    %dma_wait3A_86 = tpu.memref_slice %arg4[%mul3A_0, %dma_wait3A_85] : memref<512x768xf32, #tpu.memory_space<hbm>> -> memref<16x768xf32, #tpu.memory_space<hbm>>
    %dma_wait3A_87 = arith.constant 0 : i32
    %dma_wait3A_88 = tpu.memref_slice %arg4[%mul3A_0, %dma_wait3A_87] : memref<512x768xf32, #tpu.memory_space<hbm>> -> memref<16x768xf32, #tpu.memory_space<hbm>>
    %dma_wait3A_89 = arith.constant 0 : i32
    %dma_wait3A_90 = arith.constant 0 : i32
    %dma_wait3A_91 = tpu.memref_slice %arg6[%dma_wait3A_89, %dma_wait3A_90] : memref<32x768xf32, #tpu.memory_space<vmem>> -> memref<16x768xf32, #tpu.memory_space<vmem>>
    tpu.wait_dma2 semaphore(%arg9 : memref<!tpu.dma_semaphore, #tpu.memory_space<semaphore_mem>>) src(%dma_wait3A_91 : memref<16x768xf32, #tpu.memory_space<vmem>>) dst(%dma_wait3A_88 : memref<16x768xf32, #tpu.memory_space<hbm>>)
    %dma_wait3A_92 = arith.constant 16 : i32
    %dma_wait3A_93 = arith.constant 0 : i32
    %dma_wait3A_94 = tpu.memref_slice %arg6[%dma_wait3A_92, %dma_wait3A_93] : memref<32x768xf32, #tpu.memory_space<vmem>> -> memref<16x768xf32, #tpu.memory_space<vmem>>
    %dma_wait3A_95 = arith.constant 0 : i32
    %dma_wait3A_96 = tpu.memref_slice %arg4[%add3A_71, %dma_wait3A_95] : memref<512x768xf32, #tpu.memory_space<hbm>> -> memref<16x768xf32, #tpu.memory_space<hbm>>
    %dma_wait3A_97 = arith.constant 0 : i32
    %dma_wait3A_98 = tpu.memref_slice %arg4[%add3A_71, %dma_wait3A_97] : memref<512x768xf32, #tpu.memory_space<hbm>> -> memref<16x768xf32, #tpu.memory_space<hbm>>
    %dma_wait3A_99 = arith.constant 16 : i32
    %dma_wait3A_100 = arith.constant 0 : i32
    %dma_wait3A_101 = tpu.memref_slice %arg6[%dma_wait3A_99, %dma_wait3A_100] : memref<32x768xf32, #tpu.memory_space<vmem>> -> memref<16x768xf32, #tpu.memory_space<vmem>>
    tpu.wait_dma2 semaphore(%arg10 : memref<!tpu.dma_semaphore, #tpu.memory_space<semaphore_mem>>) src(%dma_wait3A_101 : memref<16x768xf32, #tpu.memory_space<vmem>>) dst(%dma_wait3A_98 : memref<16x768xf32, #tpu.memory_space<hbm>>)
    return
  }
}

module attributes {stable_mosaic.version = 14 : i64} {
  func.func @_tc_kernel(%arg0: i32, %arg1: memref<1x1xf32, #tpu.memory_space<smem>>, %arg2: memref<128x768xf32, #tpu.memory_space<vmem>>, %arg3: memref<8x768xf32, #tpu.memory_space<vmem>>, %arg4: memref<1x128x4xf32, #tpu.memory_space<vmem>>, %arg5: memref<768x64xf32, #tpu.memory_space<vmem>>, %arg6: memref<1x64x128x128xf32, #tpu.memory_space<vmem>>) attributes {dimension_semantics = [#tpu.dimension_semantics<arbitrary>], iteration_bounds = array<i64: 4>, scalar_prefetch = 0 : i64, scratch_operands = 0 : i64, tpu.core_type = #tpu.core_type<tc>, window_params = [{transform_indices = @transform_0, window_bounds = array<i64: 1, 1>}, {transform_indices = @transform_1, window_bounds = array<i64: 128, 768>}, {transform_indices = @transform_2, window_bounds = array<i64: 8, 768>}, {transform_indices = @transform_3, window_bounds = array<i64: 1, 128, 4>}, {pipeline_mode = #tpu.pipeline_mode<synchronous>, transform_indices = @transform_4, window_bounds = array<i64: 768, 64>}, {transform_indices = @transform_5, window_bounds = array<i64: 1, 64, 128, 128>}]} {
    %get3A = arith.constant 0 : index
    %get3A_0 = arith.constant 0 : index
    %get3A_1 = vector.load %arg2[%get3A, %get3A_0] : memref<128x768xf32, #tpu.memory_space<vmem>>, vector<128x768xf32>
    %get3A_2 = arith.constant 0 : index
    %get3A_3 = arith.constant 0 : index
    %get3A_4 = vector.load %arg3[%get3A_2, %get3A_3] : memref<8x768xf32, #tpu.memory_space<vmem>>, vector<8x768xf32>
    %concatenate3A = tpu.concatenate %get3A_1, %get3A_4 in 0 : vector<128x768xf32>, vector<8x768xf32> -> vector<136x768xf32>
    %get3A_5 = arith.constant 0 : index
    %get3A_6 = arith.constant 0 : index
    %get3A_7 = vector.load %arg5[%get3A_5, %get3A_6] : memref<768x64xf32, #tpu.memory_space<vmem>>, vector<768x64xf32>
    %dot_general3A = arith.constant dense<0.000000e+00> : vector<64x136xf32>
    %dot_general3A_8 = tpu.matmul %get3A_7, %concatenate3A, %dot_general3A {dimension_numbers = #tpu.dot_dimension_numbers<[0], [1], [1], [0], [0, 1, 1, 0], [], []>, transpose_lhs_hint = false} : vector<768x64xf32>, vector<136x768xf32>, vector<64x136xf32> -> vector<64x136xf32>
    %get3A_9 = arith.constant 0 : index
    %get3A_10 = arith.constant 0 : index
    %get3A_11 = memref.load %arg1[%get3A_9, %get3A_10] : memref<1x1xf32, #tpu.memory_space<smem>>
    %get3A_12 = arith.constant 0 : index
    %get3A_13 = arith.constant 0 : index
    %get3A_14 = arith.constant 0 : index
    %get3A_15 = vector.load %arg4[%get3A_12, %get3A_13, %get3A_14] : memref<1x128x4xf32, #tpu.memory_space<vmem>>, vector<1x128x4xf32>
    %get3A_16 = vector.shape_cast %get3A_15 : vector<1x128x4xf32> to vector<128x4xf32>
    %div3A = vector.broadcast %get3A_11 : f32 to vector<128x4xf32>
    %div3A_17 = arith.divf %get3A_16, %div3A : vector<128x4xf32>
    %round3A = math.roundeven %div3A_17 : vector<128x4xf32>
    %slice3A = vector.extract_strided_slice %round3A {offsets = [0, 0], sizes = [128, 1], strides = [1, 1]} : vector<128x4xf32> to vector<128x1xf32>
    %slice3A_18 = vector.extract_strided_slice %round3A {offsets = [0, 2], sizes = [128, 1], strides = [1, 1]} : vector<128x4xf32> to vector<128x1xf32>
    %slice3A_19 = vector.extract_strided_slice %round3A {offsets = [0, 1], sizes = [128, 1], strides = [1, 1]} : vector<128x4xf32> to vector<128x1xf32>
    %slice3A_20 = vector.extract_strided_slice %round3A {offsets = [0, 3], sizes = [128, 1], strides = [1, 1]} : vector<128x4xf32> to vector<128x1xf32>
    %iota3A = tpu.iota {dimensions = array<i32: 0>} : vector<128x1xi32>
    %and3A = arith.constant 15 : i32
    %and3A_21 = vector.broadcast %and3A : i32 to vector<128x1xi32>
    %and3A_22 = arith.andi %iota3A, %and3A_21 : vector<128x1xi32>
    %shift_left3A = arith.constant 1 : i32
    %shift_left3A_23 = vector.broadcast %shift_left3A : i32 to vector<128x1xi32>
    %shift_left3A_24 = arith.shli %shift_left3A_23, %and3A_22 : vector<128x1xi32>
    %convert_element_type3A = arith.sitofp %shift_left3A_24 : vector<128x1xi32> to vector<128x1xf32>
    %iota3A_25 = tpu.iota {dimensions = array<i32: 1>} : vector<128x128xi32>
    %convert_element_type3A_26 = arith.sitofp %iota3A_25 : vector<128x128xi32> to vector<128x128xf32>
    %ge3A = vector.broadcast %slice3A_19 : vector<128x1xf32> to vector<128x128xf32>
    %ge3A_27 = arith.cmpf oge, %convert_element_type3A_26, %ge3A : vector<128x128xf32>
    %lt3A = vector.broadcast %slice3A_20 : vector<128x1xf32> to vector<128x128xf32>
    %lt3A_28 = arith.cmpf olt, %convert_element_type3A_26, %lt3A : vector<128x128xf32>
    %and3A_29 = arith.andi %ge3A_27, %lt3A_28 : vector<128x128xi1>
    %jit3A = arith.constant 0.000000e+00 : f32
    %broadcast_in_dim3A = vector.shape_cast %convert_element_type3A : vector<128x1xf32> to vector<128x1xf32>
    %broadcast_in_dim3A_30 = vector.broadcast %broadcast_in_dim3A : vector<128x1xf32> to vector<128x128xf32>
    %broadcast_in_dim3A_31 = vector.broadcast %jit3A : f32 to vector<128x128xf32>
    %select_n3A = arith.select %and3A_29, %broadcast_in_dim3A_30, %broadcast_in_dim3A_31 : vector<128x128xi1>, vector<128x128xf32>
    %iota3A_32 = tpu.iota {dimensions = array<i32: 1>} : vector<128x1024xi32>
    %and3A_33 = arith.constant 127 : i32
    %and3A_34 = vector.broadcast %and3A_33 : i32 to vector<128x1024xi32>
    %and3A_35 = arith.andi %iota3A_32, %and3A_34 : vector<128x1024xi32>
    %convert_element_type3A_36 = arith.sitofp %and3A_35 : vector<128x1024xi32> to vector<128x1024xf32>
    %shift_right_arithmetic3A = arith.constant 4 : i32
    %shift_right_arithmetic3A_37 = vector.broadcast %shift_right_arithmetic3A : i32 to vector<128x1xi32>
    %shift_right_arithmetic3A_38 = arith.shrsi %iota3A, %shift_right_arithmetic3A_37 : vector<128x1xi32>
    %shift_right_arithmetic3A_39 = arith.constant 7 : i32
    %shift_right_arithmetic3A_40 = vector.broadcast %shift_right_arithmetic3A_39 : i32 to vector<128x1024xi32>
    %shift_right_arithmetic3A_41 = arith.shrsi %iota3A_32, %shift_right_arithmetic3A_40 : vector<128x1024xi32>
    %eq3A = vector.broadcast %shift_right_arithmetic3A_38 : vector<128x1xi32> to vector<128x1024xi32>
    %eq3A_42 = arith.cmpi eq, %eq3A, %shift_right_arithmetic3A_41 : vector<128x1024xi32>
    %ge3A_43 = vector.broadcast %slice3A : vector<128x1xf32> to vector<128x1024xf32>
    %ge3A_44 = arith.cmpf oge, %convert_element_type3A_36, %ge3A_43 : vector<128x1024xf32>
    %lt3A_45 = vector.broadcast %slice3A_18 : vector<128x1xf32> to vector<128x1024xf32>
    %lt3A_46 = arith.cmpf olt, %convert_element_type3A_36, %lt3A_45 : vector<128x1024xf32>
    %and3A_47 = arith.andi %ge3A_44, %lt3A_46 : vector<128x1024xi1>
    %and3A_48 = arith.andi %and3A_47, %eq3A_42 : vector<128x1024xi1>
    %jit3A_49 = arith.constant 1.000000e+00 : f32
    %jit3A_50 = arith.constant 0.000000e+00 : f32
    %broadcast_in_dim3A_51 = vector.broadcast %jit3A_49 : f32 to vector<128x1024xf32>
    %broadcast_in_dim3A_52 = vector.broadcast %jit3A_50 : f32 to vector<128x1024xf32>
    %select_n3A_53 = arith.select %and3A_48, %broadcast_in_dim3A_51, %broadcast_in_dim3A_52 : vector<128x1024xi1>, vector<128x1024xf32>
    %dot_general3A_54 = arith.constant dense<0.000000e+00> : vector<128x1024xf32>
    %dot_general3A_55 = tpu.matmul %select_n3A, %select_n3A_53, %dot_general3A_54 {dimension_numbers = #tpu.dot_dimension_numbers<[0], [0], [1], [1], [0, 1, 1, 1], [], []>, transpose_lhs_hint = false} : vector<128x128xf32>, vector<128x1024xf32>, vector<128x1024xf32> -> vector<128x1024xf32>
    %bitcast_convert_type3A = tpu.bitcast %dot_general3A_55 : vector<128x1024xf32> -> vector<128x1024xi32>
    %shift_right_arithmetic3A_56 = arith.constant 23 : i32
    %shift_right_arithmetic3A_57 = vector.broadcast %shift_right_arithmetic3A_56 : i32 to vector<128x1024xi32>
    %shift_right_arithmetic3A_58 = arith.shrsi %bitcast_convert_type3A, %shift_right_arithmetic3A_57 : vector<128x1024xi32>
    %sub3A = arith.constant 127 : i32
    %sub3A_59 = vector.broadcast %sub3A : i32 to vector<128x1024xi32>
    %sub3A_60 = arith.subi %shift_right_arithmetic3A_58, %sub3A_59 : vector<128x1024xi32>
    %iota3A_61 = tpu.iota {dimensions = array<i32: 1>} : vector<128x1024xi32>
    %shift_right_arithmetic3A_62 = arith.constant 7 : i32
    %shift_right_arithmetic3A_63 = vector.broadcast %shift_right_arithmetic3A_62 : i32 to vector<128x1024xi32>
    %shift_right_arithmetic3A_64 = arith.shrsi %iota3A_61, %shift_right_arithmetic3A_63 : vector<128x1024xi32>
    %mul3A = arith.constant 16 : i32
    %mul3A_65 = vector.broadcast %mul3A : i32 to vector<128x1024xi32>
    %mul3A_66 = arith.muli %shift_right_arithmetic3A_64, %mul3A_65 : vector<128x1024xi32>
    %add3A = arith.addi %sub3A_60, %mul3A_66 : vector<128x1024xi32>
    %slice3A_67 = vector.extract_strided_slice %add3A {offsets = [0, 0], sizes = [128, 128], strides = [1, 1]} : vector<128x1024xi32> to vector<128x128xi32>
    %slice3A_68 = vector.extract_strided_slice %add3A {offsets = [0, 128], sizes = [128, 128], strides = [1, 1]} : vector<128x1024xi32> to vector<128x128xi32>
    %max3A = arith.maxsi %slice3A_67, %slice3A_68 : vector<128x128xi32>
    %slice3A_69 = vector.extract_strided_slice %add3A {offsets = [0, 256], sizes = [128, 128], strides = [1, 1]} : vector<128x1024xi32> to vector<128x128xi32>
    %max3A_70 = arith.maxsi %max3A, %slice3A_69 : vector<128x128xi32>
    %slice3A_71 = vector.extract_strided_slice %add3A {offsets = [0, 384], sizes = [128, 128], strides = [1, 1]} : vector<128x1024xi32> to vector<128x128xi32>
    %max3A_72 = arith.maxsi %max3A_70, %slice3A_71 : vector<128x128xi32>
    %slice3A_73 = vector.extract_strided_slice %add3A {offsets = [0, 512], sizes = [128, 128], strides = [1, 1]} : vector<128x1024xi32> to vector<128x128xi32>
    %max3A_74 = arith.maxsi %max3A_72, %slice3A_73 : vector<128x128xi32>
    %slice3A_75 = vector.extract_strided_slice %add3A {offsets = [0, 640], sizes = [128, 128], strides = [1, 1]} : vector<128x1024xi32> to vector<128x128xi32>
    %max3A_76 = arith.maxsi %max3A_74, %slice3A_75 : vector<128x128xi32>
    %slice3A_77 = vector.extract_strided_slice %add3A {offsets = [0, 768], sizes = [128, 128], strides = [1, 1]} : vector<128x1024xi32> to vector<128x128xi32>
    %max3A_78 = arith.maxsi %max3A_76, %slice3A_77 : vector<128x128xi32>
    %slice3A_79 = vector.extract_strided_slice %add3A {offsets = [0, 896], sizes = [128, 128], strides = [1, 1]} : vector<128x1024xi32> to vector<128x128xi32>
    %max3A_80 = arith.maxsi %max3A_78, %slice3A_79 : vector<128x128xi32>
    %ge3A_81 = arith.constant 0 : i32
    %ge3A_82 = vector.broadcast %ge3A_81 : i32 to vector<128x128xi32>
    %ge3A_83 = arith.cmpi sge, %max3A_80, %ge3A_82 : vector<128x128xi32>
    %jit3A_84 = arith.constant 128 : i32
    %broadcast_in_dim3A_85 = vector.broadcast %jit3A_84 : i32 to vector<128x128xi32>
    %select_n3A_86 = arith.select %ge3A_83, %max3A_80, %broadcast_in_dim3A_85 : vector<128x128xi1>, vector<128x128xi32>
    %reshape3A = vector.shape_cast %select_n3A_86 : vector<128x128xi32> to vector<1x16384xi32>
    %iota3A_87 = tpu.iota {dimensions = array<i32: 0>} : vector<136x16384xi32>
    %eq3A_88 = vector.broadcast %reshape3A : vector<1x16384xi32> to vector<136x16384xi32>
    %eq3A_89 = arith.cmpi eq, %iota3A_87, %eq3A_88 : vector<136x16384xi32>
    %convert_element_type3A_90 = arith.extui %eq3A_89 : vector<136x16384xi1> to vector<136x16384xi32>
    %convert_element_type3A_91 = arith.sitofp %convert_element_type3A_90 : vector<136x16384xi32> to vector<136x16384xf32>
    %dot_general3A_92 = arith.constant dense<0.000000e+00> : vector<64x16384xf32>
    %dot_general3A_93 = tpu.matmul %dot_general3A_8, %convert_element_type3A_91, %dot_general3A_92 {dimension_numbers = #tpu.dot_dimension_numbers<[1], [0], [0], [1], [0, 0, 1, 1], [], []>, transpose_lhs_hint = false} : vector<64x136xf32>, vector<136x16384xf32>, vector<64x16384xf32> -> vector<64x16384xf32>
    %reshape3A_94 = vector.shape_cast %dot_general3A_93 : vector<64x16384xf32> to vector<64x128x128xf32>
    %swap3A = arith.constant 0 : index
    %swap3A_95 = arith.constant 0 : index
    %swap3A_96 = arith.constant 0 : index
    %swap3A_97 = arith.constant 0 : index
    %swap3A_98 = vector.load %arg6[%swap3A, %swap3A_95, %swap3A_96, %swap3A_97] : memref<1x64x128x128xf32, #tpu.memory_space<vmem>>, vector<1x64x128x128xf32>
    %swap3A_99 = vector.shape_cast %swap3A_98 : vector<1x64x128x128xf32> to vector<64x128x128xf32>
    %swap3A_100 = vector.shape_cast %reshape3A_94 : vector<64x128x128xf32> to vector<1x64x128x128xf32>
    tpu.vector_store %arg6[%swap3A, %swap3A_95, %swap3A_96, %swap3A_97], %swap3A_100 {strides = array<i32>} : memref<1x64x128x128xf32, #tpu.memory_space<vmem>>, vector<1x64x128x128xf32>,
    return
  }
  func.func @transform_0(%arg0: i32) -> (i32, i32) {
    %c0_i32 = arith.constant 0 : i32
    %c0_i32_0 = arith.constant 0 : i32
    %c0_i32_1 = arith.constant 0 : i32
    return %c0_i32, %c0_i32_0 : i32, i32
  }
  func.func @transform_1(%arg0: i32) -> (i32, i32) {
    %c0_i32 = arith.constant 0 : i32
    %c0_i32_0 = arith.constant 0 : i32
    return %arg0, %c0_i32 : i32, i32
  }
  func.func @transform_2(%arg0: i32) -> (i32, i32) {
    %c0_i32 = arith.constant 0 : i32
    %c0_i32_0 = arith.constant 0 : i32
    %c0_i32_1 = arith.constant 0 : i32
    return %c0_i32, %c0_i32_0 : i32, i32
  }
  func.func @transform_3(%arg0: i32) -> (i32, i32, i32) {
    %c0_i32 = arith.constant 0 : i32
    %c0_i32_0 = arith.constant 0 : i32
    %c0_i32_1 = arith.constant 0 : i32
    return %arg0, %c0_i32, %c0_i32_0 : i32, i32, i32
  }
  func.func @transform_4(%arg0: i32) -> (i32, i32) {
    %c0_i32 = arith.constant 0 : i32
    %c0_i32_0 = arith.constant 0 : i32
    %c0_i32_1 = arith.constant 0 : i32
    return %c0_i32, %c0_i32_0 : i32, i32
  }
  func.func @transform_5(%arg0: i32) -> (i32, i32, i32, i32) {
    %c0_i32 = arith.constant 0 : i32
    %c0_i32_0 = arith.constant 0 : i32
    %c0_i32_1 = arith.constant 0 : i32
    %c0_i32_2 = arith.constant 0 : i32
    return %arg0, %c0_i32, %c0_i32_0, %c0_i32_1 : i32, i32, i32, i32
  }
}

</mosaic_0001>

<sc_bundles>
// kernel: kernel.4.cloned.1.call-start
scs
__scs_entry_jumppad:
0x0: {  	(pc) =	sbr.rel $0x88, $3  }
0x1: {  	(tag) =	ssettag $0x0;
	lr =	simm.s32 $0x1  }
0x2: {  	[smem:$0x3F9C] =	sst lr;
	_ =	strace $0xD0000000  }
0x3: {  	_ = 	snop  }
0x4: {  	_ = 	snop  }
0x5: {  	_ = 	snop  }
0x6: {  	_ = 	snop  }
0x7: {  	_ = 	snop  }
__scs_overlays_trampoline_lowered:
0x8: {  	[smem:$0x3FAB] =	sst s0  }
0x9: {  	[smem:$0x3FAC] =	sst s1  }
0xa: {  	[smem:$0x3FAD] =	sst s2  }
0xb: {  	[smem:$0x3FAE] =	sst s3  }
0xc: {  	[smem:$0x3FAF] =	sst s4  }
0xd: {  	[smem:$0x3FB0] =	sst s5  }
0xe: {  	[smem:$0x3FB1] =	sst s6  }
0xf: {  	[smem:$0x3FB2] =	sst s7  }
0x10: {  	[smem:$0x3FB3] =	sst s8  }
0x11: {  	[smem:$0x3FB4] =	sst s9;
	s0 =	simm.s32 @!p0 $0x0  }
0x12: {  	s1 =	sld [smem:$0x3F9A];
	s0 =	simm.s32 @p0 $0x1  }
0x13: {  	[smem:$0x3FB5] =	sst s0;
	s0 =	simm.s32 @!p1 $0x0  }
0x14: {  	s2 =	sld [smem:$0x3F99];
	s0 =	simm.s32 @p1 $0x1  }
0x15: {  	[smem:$0x3FB6] =	sst s0;
	s0 =	simm.s32 @!p2 $0x0  }
0x16: {  	s3 =	sld [smem:$0x3FDB];
	s0 =	simm.s32 @p2 $0x1  }
0x17: {  	s4 =	simm.s32 $0x1BF5;
	[smem:$0x3FB8] =	sst s0  }
0x18: {  	s0 =	sld [smem:$0x3F9B];
	_ =	swait.ge [sflag:s4], $0x0  }
0x19: {  	s7 =	sld [smem:$0x3F9C]  }
0x1a: {  	s8 =	sadd.s32 $0xFFFFE003, lr  }
0x1b: {  	s9 =	sadd.s32 $0xFFFFFEF7, lr;
	s5 =	simm.s32 $0xFFFFFFFF;
	p2 =	slt.u32 s8, $0xFFFFF086  }
0x1c: {  	p1 =	slt.u32 s9, $0xF7A;
	s5 =	simm.s32 @!p2 $0x0  }
0x1d: {  	s5 =	simm.s32 @p1 $0x1;
	p0 =	seq.s32 s7, s2  }
0x1e: {  	s7 =	smul.u32 @!p0 $0xF7A, s2;
	p2 =	seq.s32 @!p0 s5, $0x0  }
0x1f: {  	s9 =	smul.u32 $0xF7A, s1;
	s8 =	simm.s32 @!p0 $0x1BF5;
	p2 =	por !p2, p0  }
0x20: {  	[sflag:s8] =	ssyncset.s32 @!p0 $0xFFFFF086;
	s6 =	sadd.s32 @!p0 s3, s7;
	s7 =	simm.s32 @!p0 $0x108  }
0x21: {  	s3 =	sadd.s32 s3, s9;
	s6 =	sadd.s32 @!p0 $0x88, s6;
	s7 =	simm.s32 @p2 $0x1082  }
0x22: {  	[simem:s7], [sflag:s8] =	dma.local @!p0 [hbm:s6], $0xF7A  }
0x23: {  	s9 =	sor.u32 $0xD0000000, s2;
	s6 =	simm.s32 $0x108;
	_ =	swait.ge @!p0 [sflag:s8], $0x0  }
0x24: {  	s3 =	sadd.s32 $0x88, s3;
	s6 =	simm.s32 @!p1 $0x1082;
	[sflag:s4] =	ssyncset.s32 $0xFFFFF086  }
0x25: {  	[simem:s6], [sflag:s4] =	dma.local [hbm:s3], $0xF7A  }
0x26: {  	[smem:$0x3F9C] =	sst s1;
	(tag) =	ssettag s2;
	_ =	strace s9  }
0x27: {  	s1 =	sld [smem:$0x3FAC]  }
0x28: {  	s2 =	sld [smem:$0x3FAD]  }
0x29: {  	s4 =	sld [smem:$0x3FAF]  }
0x2a: {  	p0 =	seq.s32 s5, $0x0;
	s5 =	sld [smem:$0x3FB0]  }
0x2b: {  	s6 =	sld [smem:$0x3FB1]  }
0x2c: {  	s7 =	sld [smem:$0x3FB2]  }
0x2d: {  	s3 =	simm.s32 $0x108;
	s8 =	sld [smem:$0x3FB3]  }
0x2e: {  	s3 =	simm.s32 @!p0 $0x1082;
	s9 =	sld [smem:$0x3FB4]  }
0x2f: {  	lr =	sadd.s32 s0, s3;
	s0 =	sld [smem:$0x3FAB]  }
0x30: {  	s3 =	sld [smem:$0x3FAE]  }
0x31: {  	[smem:$0x3FB7] =	sst s10  }
0x32: {  	s10 =	sld [smem:$0x3FB5];
	_ =	sdelay $0x3  }
0x33: {  	p0 =	seq.s32 s10, $0x1;
	s10 =	sld [smem:$0x3FB7];
	_ =	sdelay $0x3  }
0x34: {  	[smem:$0x3FB7] =	sst s10  }
0x35: {  	s10 =	sld [smem:$0x3FB6];
	_ =	sdelay $0x3  }
0x36: {  	p1 =	seq.s32 s10, $0x1;
	s10 =	sld [smem:$0x3FB7];
	_ =	sdelay $0x3  }
0x37: {  	[smem:$0x3FB7] =	sst s10  }
0x38: {  	s10 =	sld [smem:$0x3FB8]  }
0x39: {  	_ = 	snop;
	(pc) =	sbr.ind lr, $3  }
0x3a: {  	_ = 	snop  }
0x3b: {  	_ = 	snop  }
0x3c: {  	p2 =	seq.s32 s10, $0x1;
	s10 =	sld [smem:$0x3FB7]  }
0x3d: {  	_ =	shalt  }
0x3e: {  	_ =	shalt  }
0x3f: {  	_ =	shalt  }
0x40: {  	_ =	shalt  }
0x41: {  	_ =	shalt  }
0x42: {  	_ =	shalt  }
0x43: {  	_ =	shalt  }
0x44: {  	_ =	shalt  }
0x45: {  	_ =	shalt  }
0x46: {  	_ =	shalt  }
0x47: {  	_ =	shalt  }
0x48: {  	_ =	shalt  }
0x49: {  	_ =	shalt  }
0x4a: {  	_ =	shalt  }
0x4b: {  	_ =	shalt  }
0x4c: {  	_ =	shalt  }
0x4d: {  	_ =	shalt  }
0x4e: {  	_ =	shalt  }
0x4f: {  	_ =	shalt  }
0x50: {  	_ =	shalt  }
0x51: {  	_ =	shalt  }
0x52: {  	_ =	shalt  }
0x53: {  	_ =	shalt  }
0x54: {  	_ =	shalt  }
0x55: {  	_ =	shalt  }
0x56: {  	_ =	shalt  }
0x57: {  	_ =	shalt  }
0x58: {  	_ =	shalt  }
0x59: {  	_ =	shalt  }
0x5a: {  	_ =	shalt  }
0x5b: {  	_ =	shalt  }
0x5c: {  	_ =	shalt  }
0x5d: {  	_ =	shalt  }
0x5e: {  	_ =	shalt  }
0x5f: {  	_ =	shalt  }
0x60: {  	_ =	shalt  }
0x61: {  	_ =	shalt  }
0x62: {  	_ =	shalt  }
0x63: {  	_ =	shalt  }
0x64: {  	_ =	shalt  }
0x65: {  	_ =	shalt  }
0x66: {  	_ =	shalt  }
0x67: {  	_ =	shalt  }
0x68: {  	_ =	shalt  }
0x69: {  	_ =	shalt  }
0x6a: {  	_ =	shalt  }
0x6b: {  	_ =	shalt  }
0x6c: {  	_ =	shalt  }
0x6d: {  	_ =	shalt  }
0x6e: {  	_ =	shalt  }
0x6f: {  	_ =	shalt  }
0x70: {  	_ =	shalt  }
0x71: {  	_ =	shalt  }
0x72: {  	_ =	shalt  }
0x73: {  	_ =	shalt  }
0x74: {  	_ =	shalt  }
0x75: {  	_ =	shalt  }
0x76: {  	_ =	shalt  }
0x77: {  	_ =	shalt  }
0x78: {  	_ =	shalt  }
0x79: {  	_ =	shalt  }
0x7a: {  	_ =	shalt  }
0x7b: {  	_ =	shalt  }
0x7c: {  	_ =	shalt  }
0x7d: {  	_ =	shalt  }
0x7e: {  	_ =	shalt  }
0x7f: {  	_ =	shalt  }
0x80: {  	_ =	shalt  }
0x81: {  	_ =	shalt  }
0x82: {  	_ =	shalt  }
0x83: {  	_ =	shalt  }
0x84: {  	_ =	shalt  }
0x85: {  	_ =	shalt  }
0x86: {  	_ =	shalt  }
0x87: {  	_ =	shalt  }
.Lfunc_end0:
.L_simem_size_0:
called_computation_lowered:
.L_overlay_start_0:
0x88: {  	s0 =	sld [smem:$0x3FD9]  }
0x89: {  	s1 =	sld [smem:$0x3FFE];
	_ =	sdelay $0x3  }
0x8a: {  	s0 =	sadd.s32 s1, s0  }
0x8b: {  	[smem:$0x3FC3] =	sst s0  }
0x8c: {  	_ = 	snop  }
0x8d: {  	s0 =	sld [smem:$0x3FC9]  }
0x8e: {  	s17 =	sld [smem:$0x3FC7]  }
0x8f: {  	s2 =	sld [smem:$0x3FD0];
	(tm) =	ssettm $0x1  }
0x90: {  	s3 =	sld [smem:$0x3FFB];
	_ =	sdelay $0x3  }
0x91: {  	_ =	strace s3  }
0x92: {  	s3 =	sld [smem:$0x3FFC];
	_ =	sdelay $0x3  }
0x93: {  	_ =	strace s3  }
0x94: {  	s3 =	sld [smem:$0x3FFD];
	_ =	sdelay $0x3  }
0x95: {  	_ =	strace s3  }
0x96: {  	_ =	strace $0x8FFFFFFF  }
0x97: {  	s18 =	sld [smem:$0x3FDB];
	_ =	sdelay $0x1  }
0x98: {  	s4 =	simm.s32 $_scs_section_size  }
0x99: {  	s5 =	simm.s32 $_size__tile_overlayer_lowered;
	s6 =	simm.s32 $_tile_overlayer_lowered  }
0x9a: {  	s21 =	simm.s32 $0x1BFF;
	s20 =	sshll.u32 s6, $0x1;
	s3 =	sadd.s32 s4, s18  }
0x9b: {  	s7 =	simm.s32 $0x0;
	s19 =	sshll.u32 s5, $0x1;
	s5 =	sadd.s32 s20, s3  }
0x9c: {  	[timem:s7], [sflag:s21] =	dma.local [hbm:s5], s19  }
0x9d: {  	_ =	swait.ge [sflag:s21], s19  }
0x9e: {  	s4 =	ssub.s32 $0x0, s19;
	[sflag:s21] =	ssyncset.done $0x0  }
0x9f: {  	[sflag:s21] =	ssyncadd.s32 s4;
	_ =	sdelay $0x1  }
0xa0: {  	s22 =	simm.s32 $0x1B8B  }
0xa1: {  	_ =	swait.ge [sflag:s22], $0x1  }
0xa2: {  	[sflag:s22] =	ssyncset.done $0x0  }
0xa3: {  	s23 =	simm.s32 $0x1B8E;
	[sflag:s22] =	ssyncadd.s32 $0xFFFFFFFF  }
0xa4: {  	s24 =	simm.s32 $execute0_lowered;
	[smem:$0x3FD2] =	sst s23  }
0xa5: {  	s4 =	sshll.u32 s24, $0x1;
	_ =	strace $0x80000046;
	[dreg:$0x1] =	wrdreg $0xFFFFFFFF  }
0xa6: {  	s25 =	simm.s32 $_size_execute0_lowered;
	s3 =	sadd.s32 s3, s4;
	[dreg:$0x0] =	wrdreg $0x0  }
0xa7: {  	s4 =	sshll.u32 s25, $0x1;
	[dreg:$0x2] =	wrdreg s3  }
0xa8: {  	[dreg:$0x3] =	wrdreg s4  }
0xa9: {  	[dreg:$0x4] =	wrdreg $0xC0  }
0xaa: {  	_ =	task [dreg:s7], $0x5FFFF  }
0xab: {  	[dreg:$0x1] =	wrdreg $0xFFFFFFFF  }
0xac: {  	[dreg:$0x0] =	wrdreg $0x60  }
0xad: {  	[dreg:$0x2] =	wrdreg s17  }
0xae: {  	[dreg:$0x3] =	wrdreg s0  }
0xaf: {  	[dreg:$0x4] =	wrdreg s2  }
0xb0: {  	[dreg:$0x5] =	wrdreg $0x9  }
0xb1: {  	_ =	task.clear_ibuf [dreg:s7], $0x6FFFF;
	_ =	strace $0x90000046  }
0xb2: {  	s26 =	simm.s32 $0x9;
	_ =	strace $0x80000048  }
0xb3: {  	_ =	swait.ge [sflag:s26], $0x1  }
0xb4: {  	[sflag:s26] =	ssyncadd.s32 $0xFFFFFFFF  }
0xb5: {  	_ =	strace $0x90000048  }
0xb6: {  	_ =	sfence  }
0xb7: {  	s28 =	sld [smem:$0x0];
	_ =	sdelay $0x1  }
0xb8: {  	s29 =	srdreg.scid  }
0xb9: {  	s30 =	sshll.u32 s29, $0xD;
	s31 =	sshrl.u32 s29, $0x2  }
0xba: {  	s1 =	sand.u32 $0x1, s29;
	s2 =	sand.u32 $0x4000, s30;
	s0 =	sadd.s32 s31, s28  }
0xbb: {  	s1 =	sor.u32 s2, s1;
	s0 =	sshll.u32 s0, $0x11  }
0xbc: {  	s0 =	sor.u32 s0, s1  }
0xbd: {  	s0 =	sadd.s32 $0x8F2B, s0  }
0xbe: {  	[sflag:s0] =	ssyncadd.remote.s32 $0x1  }
0xbf: {  	_ =	sfence.sel $0xFFFF  }
0xc0: {  	[dreg:$0x0] =	wrdreg $0xFFFFFFFF;
	(pc) =	sbr.abs _section_cstart, $3  }
0xc1: {  	[dreg:$0x1] =	wrdreg $0xFFFFFFFF  }
0xc2: {  	_ =	task.clear_ibuf [dreg:s7], $0x2FFFF;
	_ =	strace $0x9FFFFFFF  }
0xc3: {  	(tm) =	ssettm $0x7FFFFFFF  }
tec
execute0_lowered:
.L_overlay_start_1:
0x0: {  	(tag) =	ssettag $0x1  }
0x1: {  	s4 =	rddreg [dreg:$0x0]  }
0x2: {  	s5 =	rddreg [dreg:$0x1];
	s0 =	stileid.u32  }
0x3: {  	s3 =	rddreg [dreg:$0x2];
	s6 =	sshll.u32 s0, $0x2  }
0x4: {  	s1 =	rddreg [dreg:$0x3];
	s2 =	simm.s32 $0x0;
	s7 =	sand.u32 $0xC, s6  }
0x5: {  	[smem:$0x7FF] =	sst s2;
	s6 =	sand.u32 $0x30, s6;
	s5 =	sadd.s32 s5, s7  }
0x6: {  	s11 =	simm.s32 $0x5;
	_ =	strace $0x80000047;
	s5 =	sadd.s32 s6, s5  }
0x7: {  	[tilespmem:s2], [sflag:$0x5] =	stream.linear.gather [hbm4b:s5+s2], $0x20, $0x38;
	[tilespmem:$0x6080] =	vst v63  }
0x8: {  	_ =	swait.ge [sflag:s11], $0x20  }
0x9: {  	[sflag:s11] =	ssyncset.done $0x0  }
0xa: {  	[sflag:s11] =	ssyncadd.s32 $0xFFFFFFE0  }
0xb: {  	v0 =	vld [tilespmem:$0x0];
	_ =	sdelay $0x4  }
0xc: {  	v1 =	vshrl.u32 v0, $0x3  }
0xd: {  	v1 =	vmul.u32 $0x30, v1  }
0xe: {  	v2 =	vlaneseq.u32;
	v0 =	vand.u32 $0x7, v0  }
0xf: {  	v62 =	vand.u32 $0x7, v2;
	v3 =	vshrl.u32 v2, $0x3;
	v0 =	vor.u32 v0, v1  }
0x10: {  	v3 =	vmul.u32 $0x8, v3;
	v4 =	vperm.xlane v0, v62;
	_ =	sdelay $0x1  }
0x11: {  	v4 =	vadd.s32 v3, v4;
	_ =	sdelay $0x2  }
0x12: {  	v2 =	vor.u32 $0x8, v2  }
0x13: {  	vm0 =	vmmov $0xffff;
	s12 =	simm.s32 $0x80;
	v0 =	vperm.xlane v0, v2  }
0x14: {  	[tilespmem:s12], [sflag:$0x1] =	stream.indirect_vreg.gather [hbm4b:s4+s2], $0x80, v4, vm0, $0xb8;
	[tilespmem:$0x6080] =	vst v63  }
0x15: {  	s14 =	simm.s32 $0x880;
	s13 =	sadd.s32 $0x100, s4;
	v0 =	vadd.s32 v3, v0  }
0x16: {  	[tilespmem:s14], [sflag:$0x1] =	stream.indirect_vreg.gather [hbm4b:s13+s2], $0x80, v4, vm0, $0xb8;
	[tilespmem:$0x6080] =	vst v63  }
0x17: {  	s8 =	simm.s32 $0x1080;
	s15 =	sadd.s32 $0x200, s4  }
0x18: {  	[tilespmem:s8], [sflag:$0x1] =	stream.indirect_vreg.gather [hbm4b:s15+s2], $0x80, v4, vm0, $0xb8;
	[tilespmem:$0x6080] =	vst v63  }
0x19: {  	s16 =	simm.s32 $0x1880  }
0x1a: {  	[tilespmem:s16], [sflag:$0x1] =	stream.indirect_vreg.gather [hbm4b:s4+s2], $0x80, v0, vm0, $0xb8;
	[tilespmem:$0x6080] =	vst v63  }
0x1b: {  	s17 =	simm.s32 $0x2080  }
0x1c: {  	[tilespmem:s17], [sflag:$0x1] =	stream.indirect_vreg.gather [hbm4b:s13+s2], $0x80, v0, vm0, $0xb8;
	[tilespmem:$0x6080] =	vst v63  }
0x1d: {  	s18 =	simm.s32 $0x2880  }
0x1e: {  	[tilespmem:s18], [sflag:$0x1] =	stream.indirect_vreg.gather [hbm4b:s15+s2], $0x80, v0, vm0, $0xb8;
	[tilespmem:$0x6080] =	vst v63  }
0x1f: {  	v0 =	vld [tilespmem:$0x10];
	_ =	sdelay $0x4  }
0x20: {  	v63 =	vshrl.u32 v0, $0x3  }
0x21: {  	v4 =	vmul.u32 $0x30, v63  }
0x22: {  	v0 =	vand.u32 $0x7, v0  }
0x23: {  	v0 =	vor.u32 v0, v4  }
0x24: {  	v1 =	vperm.xlane v0, v62;
	_ =	sdelay $0x1  }
0x25: {  	v1 =	vadd.s32 v3, v1;
	_ =	sdelay $0x3  }
0x26: {  	s19 =	simm.s32 $0x3080;
	v0 =	vperm.xlane v0, v2  }
0x27: {  	[tilespmem:s19], [sflag:$0x2] =	stream.indirect_vreg.gather [hbm4b:s4+s2], $0x80, v1, vm0, $0xb8;
	[tilespmem:$0x6080] =	vst v63  }
0x28: {  	s9 =	simm.s32 $0x3880;
	v0 =	vadd.s32 v3, v0  }
0x29: {  	[tilespmem:s9], [sflag:$0x2] =	stream.indirect_vreg.gather [hbm4b:s13+s2], $0x80, v1, vm0, $0xb8;
	[tilespmem:$0x6080] =	vst v63  }
0x2a: {  	s20 =	simm.s32 $0x4080  }
0x2b: {  	[tilespmem:s20], [sflag:$0x2] =	stream.indirect_vreg.gather [hbm4b:s15+s2], $0x80, v1, vm0, $0xb8;
	[tilespmem:$0x6080] =	vst v63  }
0x2c: {  	s21 =	simm.s32 $0x4880  }
0x2d: {  	[tilespmem:s21], [sflag:$0x2] =	stream.indirect_vreg.gather [hbm4b:s4+s2], $0x80, v0, vm0, $0xb8;
	[tilespmem:$0x6080] =	vst v63  }
0x2e: {  	s22 =	simm.s32 $0x5080  }
0x2f: {  	[tilespmem:s22], [sflag:$0x2] =	stream.indirect_vreg.gather [hbm4b:s13+s2], $0x80, v0, vm0, $0xb8;
	[tilespmem:$0x6080] =	vst v63  }
0x30: {  	s23 =	simm.s32 $0x5880;
	s24 =	simm.s32 $0x1  }
0x31: {  	[tilespmem:s23], [sflag:$0x2] =	stream.indirect_vreg.gather [hbm4b:s15+s2], $0x80, v0, vm0, $0xb8;
	[tilespmem:$0x6080] =	vst v63  }
0x32: {  	s25 =	smul.u32 $0xC00, s0;
	_ =	swait.ge [sflag:s24], $0x3000  }
0x33: {  	s28 =	simm.s32 $0x2;
	[sflag:s24] =	ssyncset.done $0x0  }
0x34: {  	s26 =	smul.u32 $0x6000, s0;
	s6 =	sadd.s32 s3, s25;
	[sflag:s24] =	ssyncadd.s32 $0xFFFFD000  }
0x35: {  	[hbm4b:s6+s2] =	stream.linear.scatter [tilespmem:s12], [sflag:$0x3], $0x3000, $0x38;
	[tilespmem:$0x6080] =	vst v63  }
0x36: {  	s29 =	sshrl.u32 s26, $0x3;
	_ =	swait.ge [sflag:s28], $0x3000  }
0x37: {  	s3 =	sadd.s32 s3, s29;
	[sflag:s28] =	ssyncset.done $0x0  }
0x38: {  	s30 =	simm.s32 $0x3;
	s3 =	sadd.s32 $0x600, s3;
	[sflag:s28] =	ssyncadd.s32 $0xFFFFD000  }
0x39: {  	[hbm4b:s3+s2] =	stream.linear.scatter [tilespmem:s19], [sflag:$0x4], $0x3000, $0x38;
	[tilespmem:$0x6080] =	vst v63  }
0x3a: {  	_ =	swait.ge [sflag:s30], $0x3000  }
0x3b: {  	[sflag:s30] =	ssyncset.done $0x0  }
0x3c: {  	s31 =	simm.s32 $0x4;
	[sflag:s30] =	ssyncadd.s32 $0xFFFFD000  }
0x3d: {  	_ =	swait.ge [sflag:s31], $0x3000  }
0x3e: {  	[sflag:s31] =	ssyncset.done $0x0  }
0x3f: {  	[sflag:s31] =	ssyncadd.s32 $0xFFFFD000  }
0x40: {  	_ =	sfence.sel $0x180000  }
0x41: {  	[bflag:$0x0] =	sbarrier.arrive $0xFFFF  }
0x42: {  	p0 =	sne.s32 s0, $0x0;
	_ =	strace $0x90000047  }
0x43: {  	s0 =	sadd.s32 @!p0 $0x100000, s1;
	[bflag:$0x2] =	sbarrier.arrive $0xFFFF  }
0x44: {  	[sflag:s0] =	ssyncadd.tile.s32 @!p0 $0x1;
	_ =	shalt  }
.Lfunc_end2:
_tile_overlayer_lowered:
.L_overlay_start_2:
0x45: {  	(tag) =	ssettag $0x2  }
0x46: {  	s0 =	rddreg [dreg:$0x0];
	s2 =	stileid.u32  }
0x47: {  	s1 =	rddreg [dreg:$0x1];
	p0 =	sne.s32 s2, $0x0  }
0x48: {  	s3 =	rddreg [dreg:$0x2];
	[bflag:$0x3] =	sbarrier.arrive $0xFFFF;
	s2 =	simm.s32 @!p0 $0x1C05  }
0x49: {  	[timem:s3], [sflag:s2] =	dma.local @!p0 [hbm:s0], s1  }
0x4a: {  	s0 =	simm.s32 @!p0 $0x5  }
0x4b: {  	_ =	swait.ge @!p0 [sflag:s0], s1  }
0x4c: {  	s1 =	ssub.s32 @!p0 $0x0, s1;
	[sflag:s0] =	ssyncset.done @!p0 $0x0  }
0x4d: {  	[sflag:s0] =	ssyncadd.s32 @!p0 s1  }
0x4e: {  	[bflag:$0x3] =	sbarrier.arrive $0xFFFF  }
0x4f: {  	_ =	shalt  }

</sc_bundles>
